<compile_context>
chip_gen: v7x
topology: tpu7x:2x2x1
jax: 0.10.2.dev20260603
libtpu: 0.0.44.dev20260713+nightly
codegen_flags: <defaults>
</compile_context>

<pallas_src>
import functools

import jax
import jax.numpy as jnp
from jax import lax
from jax.experimental import pallas as pl
from jax.experimental.pallas import tpu as pltpu
from jax.experimental.pallas import tpu_sc as plsc

H = 16
S = 2048
NC = 2
NS = 16
NW = NC * NS
W = 15 * 128 + S
PHASES = 2
M_PER_TILE = 4


def _sc_expand_call(tabv):
    mesh = plsc.VectorSubcoreMesh(core_axis_name="c", subcore_axis_name="s")

    @functools.partial(
        pl.kernel,
        mesh=mesh,
        out_type=jax.ShapeDtypeStruct((H, S, S), jnp.float32),
        scratch_types=[
            pltpu.VMEM((16, W), jnp.float32),
            pltpu.VMEM((16, W), jnp.float32),
            pltpu.SemaphoreType.DMA,
            pltpu.SemaphoreType.DMA,
        ],
    )
    def sc_expand(tabv_hbm, out_hbm, vta, vtb, semf, sems):
        cid = lax.axis_index("c")
        sid = lax.axis_index("s")
        w = sid * NC + cid
        hslot = w // 4
        mlo = M_PER_TILE * (w % 4)

        def stage(u):
            h = (u // 2) * (H // PHASES) + hslot
            src = tabv_hbm.at[h, pl.ds(8 * (12 - mlo) + 16 * (u % 2), 16)]
            return pltpu.make_async_copy(src, vta if u % 2 == 0 else vtb, sems)

        def fires(u, start):
            vt = vta if u % 2 == 0 else vtb
            h = (u // 2) * (H // PHASES) + hslot
            base = 2016 - 8 * mlo + 16 * (u % 2)

            def body(a, carry):
                src = vt.at[:, pl.ds(128 * a, S)]
                dst = out_hbm.at[h, pl.ds(base - 128 * a, 16)]
                cp = pltpu.make_async_copy(src, dst, semf)
                cp.start() if start else cp.wait()
                return carry

            lax.fori_loop(0, 16, body, 0)

        st = stage(0)
        st.start()
        st.wait()
        for u in range(2 * PHASES):
            fires(u, start=True)
            if u + 1 < 2 * PHASES:
                stage(u + 1).start()
            fires(u, start=False)
            if u + 1 < 2 * PHASES:
                stage(u + 1).wait()

    return sc_expand(tabv)


def kernel(table, seq_len):
    del seq_len
    ftf_pad = jnp.flip(jnp.pad(table, ((0, 1), (0, 0))), axis=0).T
    tabr8 = jnp.stack(
        [ftf_pad[:, 8 - r: 8 - r + 8 * 15 + W] for r in range(8)], axis=1
    )
    tabv = jnp.concatenate(
        [tabr8[:, :, 8 * m: 8 * m + W] for m in range(15, -1, -1)], axis=1
    )
    return _sc_expand_call(tabv)

# --- scband reference (transcript-rebuilt; emitter-appended) ---
"""Pipeline reference for scband-relative-position-bias-85512798863472 (READ-ONLY COPY).

The authoritative reference and input builder live on the scoring server;
editing this copy changes nothing except your own understanding.
"""

import jax, jax.numpy as jnp
import numpy as np

MAX_LEN = 2048
NUM_HEADS = 16

def setup_inputs(seed: int = 0) -> dict:
    key = jax.random.key(seed)
    # learned parameter: relative_position_bias_table, trunc_normal(std=0.02) approximated by normal*0.02
    table = jax.random.normal(key, (2 * MAX_LEN - 1, NUM_HEADS), dtype=jnp.float32) * 0.02
    return {"table": table, "seq_len": 2048}

def reference(table, seq_len):
    S = (table.shape[0] + 1) // 2
    coords = jnp.arange(S)
    relative_coords = coords[:, None] - coords[None, :]
    relative_coords = relative_coords + (MAX_LEN - 1) + (seq_len - S)
    # gather: [S, S, H] lookup from [2*max_len-1, H] table
    relative_position_bias = jnp.take(table, relative_coords, axis=0)
    return jnp.transpose(relative_position_bias, (2, 0, 1))

if __name__ == "__main__":
    import jax
    _d = setup_inputs()
    print(jax.jit(kernel)(*tuple(_d.values())))

</pallas_src>

<mosaic_0001>
#map = affine_map<(d0, d1) -> (0, 0, 0)>
module attributes {stable_mosaic.version = 14 : i64} {
  func.func @sc_expand(%arg0: i32, %arg1: i32, %arg2: memref<16x128x3968xf32, #tpu.memory_space<hbm>>, %arg3: memref<16x2048x2048xf32, #tpu.memory_space<hbm>>, %arg4: memref<16x3968xf32, #tpu.memory_space<vmem>>, %arg5: memref<16x3968xf32, #tpu.memory_space<vmem>>, %arg6: memref<!tpu.dma_semaphore, #tpu.memory_space<semaphore_mem>>, %arg7: memref<!tpu.dma_semaphore, #tpu.memory_space<semaphore_mem>>) attributes {dimension_semantics = [#tpu.dimension_semantics<core_parallel>, #tpu.dimension_semantics<subcore_parallel>], iteration_bounds = array<i64: 2, 16>, scalar_prefetch = 0 : i64, scratch_operands = 4 : i64, tpu.core_type = #tpu.core_type<sc_vector_subcore>, window_params = [{transform_indices = #map}, {transform_indices = #map}]} {
    %mul3A = arith.constant 2 : i32
    %mul3A_0 = arith.muli %arg1, %mul3A : i32
    %add3A = arith.addi %mul3A_0, %arg0 : i32
    %jit3A = arith.constant 4 : i32
    %div3A = arith.divsi %add3A, %jit3A : i32
    %sign3A = arith.constant 0 : i32
    %sign3A_1 = arith.cmpi sgt, %add3A, %sign3A : i32
    %sign3A_2 = arith.extui %sign3A_1 : i1 to i32
    %sign3A_3 = arith.constant 0 : i32
    %sign3A_4 = arith.cmpi slt, %add3A, %sign3A_3 : i32
    %sign3A_5 = arith.extui %sign3A_4 : i1 to i32
    %sign3A_6 = arith.subi %sign3A_2, %sign3A_5 : i32
    %sign3A_7 = arith.constant 0 : i32
    %sign3A_8 = arith.cmpi sgt, %jit3A, %sign3A_7 : i32
    %sign3A_9 = arith.extui %sign3A_8 : i1 to i32
    %sign3A_10 = arith.constant 0 : i32
    %sign3A_11 = arith.cmpi slt, %jit3A, %sign3A_10 : i32
    %sign3A_12 = arith.extui %sign3A_11 : i1 to i32
    %sign3A_13 = arith.subi %sign3A_9, %sign3A_12 : i32
    %ne3A = arith.cmpi ne, %sign3A_6, %sign3A_13 : i32
    %rem3A = arith.remsi %add3A, %jit3A : i32
    %ne3A_14 = arith.constant 0 : i32
    %ne3A_15 = arith.cmpi ne, %rem3A, %ne3A_14 : i32
    %and3A = arith.andi %ne3A, %ne3A_15 : i1
    %sub3A = arith.constant 1 : i32
    %sub3A_16 = arith.subi %div3A, %sub3A : i32
    %select_n3A = arith.select %and3A, %sub3A_16, %div3A : i32
    %jit3A_17 = arith.constant 4 : i32
    %eq3A = arith.constant 0 : i32
    %eq3A_18 = arith.cmpi eq, %jit3A_17, %eq3A : i32
    %jit3A_19 = arith.constant 1 : i32
    %select_n3A_20 = arith.select %eq3A_18, %jit3A_19, %jit3A_17 : i32
    %rem3A_21 = arith.remsi %add3A, %select_n3A_20 : i32
    %ne3A_22 = arith.constant 0 : i32
    %ne3A_23 = arith.cmpi ne, %rem3A_21, %ne3A_22 : i32
    %lt3A = arith.constant 0 : i32
    %lt3A_24 = arith.cmpi slt, %rem3A_21, %lt3A : i32
    %lt3A_25 = arith.constant 0 : i32
    %lt3A_26 = arith.cmpi slt, %select_n3A_20, %lt3A_25 : i32
    %ne3A_27 = arith.xori %lt3A_24, %lt3A_26 : i1
    %and3A_28 = arith.andi %ne3A_27, %ne3A_23 : i1
    %add3A_29 = arith.addi %rem3A_21, %select_n3A_20 : i32
    %select_n3A_30 = arith.select %and3A_28, %add3A_29, %rem3A_21 : i32
    %mul3A_31 = arith.constant 4 : i32
    %mul3A_32 = arith.muli %mul3A_31, %select_n3A_30 : i32
    %add3A_33 = arith.constant 0 : i32
    %add3A_34 = arith.addi %add3A_33, %select_n3A : i32
    %sub3A_35 = arith.constant 12 : i32
    %sub3A_36 = arith.subi %sub3A_35, %mul3A_32 : i32
    %mul3A_37 = arith.constant 8 : i32
    %mul3A_38 = arith.muli %mul3A_37, %sub3A_36 : i32
    %add3A_39 = arith.constant 0 : i32
    %add3A_40 = arith.addi %mul3A_38, %add3A_39 : i32
    %dma_start3A = arith.constant 0 : i32
    %dma_start3A_41 = tpu.memref_slice %arg2[%add3A_34, %add3A_40, %dma_start3A] : memref<16x128x3968xf32, #tpu.memory_space<hbm>> -> memref<1x16x3968xf32, #tpu.memory_space<hbm>>
    %dma_start3A_42 = tpu.memref_squeeze %dma_start3A_41 : memref<1x16x3968xf32, #tpu.memory_space<hbm>> -> memref<16x3968xf32, #tpu.memory_space<hbm>>
    %dma_start3A_43 = arith.constant 0 : i32
    %dma_start3A_44 = tpu.memref_slice %arg2[%add3A_34, %add3A_40, %dma_start3A_43] : memref<16x128x3968xf32, #tpu.memory_space<hbm>> -> memref<1x16x3968xf32, #tpu.memory_space<hbm>>
    %dma_start3A_45 = tpu.memref_squeeze %dma_start3A_44 : memref<1x16x3968xf32, #tpu.memory_space<hbm>> -> memref<16x3968xf32, #tpu.memory_space<hbm>>
    tpu.enqueue_dma source(%dma_start3A_45 : memref<16x3968xf32, #tpu.memory_space<hbm>>) target(%arg4 : memref<16x3968xf32, #tpu.memory_space<vmem>>) target_semaphore(%arg7 : memref<!tpu.dma_semaphore, #tpu.memory_space<semaphore_mem>>)
    %dma_wait3A = arith.constant 0 : i32
    %dma_wait3A_46 = tpu.memref_slice %arg2[%add3A_34, %add3A_40, %dma_wait3A] : memref<16x128x3968xf32, #tpu.memory_space<hbm>> -> memref<1x16x3968xf32, #tpu.memory_space<hbm>>
    %dma_wait3A_47 = tpu.memref_squeeze %dma_wait3A_46 : memref<1x16x3968xf32, #tpu.memory_space<hbm>> -> memref<16x3968xf32, #tpu.memory_space<hbm>>
    %dma_wait3A_48 = arith.constant 0 : i32
    %dma_wait3A_49 = tpu.memref_slice %arg2[%add3A_34, %add3A_40, %dma_wait3A_48] : memref<16x128x3968xf32, #tpu.memory_space<hbm>> -> memref<1x16x3968xf32, #tpu.memory_space<hbm>>
    %dma_wait3A_50 = tpu.memref_squeeze %dma_wait3A_49 : memref<1x16x3968xf32, #tpu.memory_space<hbm>> -> memref<16x3968xf32, #tpu.memory_space<hbm>>
    tpu.wait_dma2 semaphore(%arg7 : memref<!tpu.dma_semaphore, #tpu.memory_space<semaphore_mem>>) src(%dma_wait3A_50 : memref<16x3968xf32, #tpu.memory_space<hbm>>) dst(%arg4 : memref<16x3968xf32, #tpu.memory_space<vmem>>)
    %add3A_51 = arith.constant 0 : i32
    %add3A_52 = arith.addi %add3A_51, %select_n3A : i32
    %mul3A_53 = arith.constant 8 : i32
    %mul3A_54 = arith.muli %mul3A_53, %mul3A_32 : i32
    %sub3A_55 = arith.constant 2016 : i32
    %sub3A_56 = arith.subi %sub3A_55, %mul3A_54 : i32
    %add3A_57 = arith.constant 0 : i32
    %add3A_58 = arith.addi %sub3A_56, %add3A_57 : i32
    %scan3A = arith.constant 0 : i32
    %scan3A_59 = arith.constant 0 : i32
    %scan3A_60 = arith.constant 16 : i32
    %scan3A_61 = arith.addi %scan3A_59, %scan3A_60 : i32
    %scan3A_62 = arith.constant 1 : i32
    scf.for %scan3A_246 = %scan3A_59 to %scan3A_61 step %scan3A_62  : i32 {
      %mul3A_247 = arith.constant 128 : i32
      %mul3A_248 = arith.muli %mul3A_247, %scan3A_246 : i32
      %mul3A_249 = arith.constant 128 : i32
      %mul3A_250 = arith.muli %mul3A_249, %scan3A_246 : i32
      %sub3A_251 = arith.subi %add3A_58, %mul3A_250 : i32
      %dma_start3A_252 = arith.constant 0 : i32
      %dma_start3A_253 = tpu.memref_slice %arg4[%dma_start3A_252, %mul3A_248] : memref<16x3968xf32, #tpu.memory_space<vmem>> -> memref<16x2048xf32, #tpu.memory_space<vmem>>
      %dma_start3A_254 = arith.constant 0 : i32
      %dma_start3A_255 = tpu.memref_slice %arg3[%add3A_52, %sub3A_251, %dma_start3A_254] : memref<16x2048x2048xf32, #tpu.memory_space<hbm>> -> memref<1x16x2048xf32, #tpu.memory_space<hbm>>
      %dma_start3A_256 = tpu.memref_squeeze %dma_start3A_255 : memref<1x16x2048xf32, #tpu.memory_space<hbm>> -> memref<16x2048xf32, #tpu.memory_space<hbm>>
      %dma_start3A_257 = arith.constant 0 : i32
      %dma_start3A_258 = tpu.memref_slice %arg3[%add3A_52, %sub3A_251, %dma_start3A_257] : memref<16x2048x2048xf32, #tpu.memory_space<hbm>> -> memref<1x16x2048xf32, #tpu.memory_space<hbm>>
      %dma_start3A_259 = tpu.memref_squeeze %dma_start3A_258 : memref<1x16x2048xf32, #tpu.memory_space<hbm>> -> memref<16x2048xf32, #tpu.memory_space<hbm>>
      %dma_start3A_260 = arith.constant 0 : i32
      %dma_start3A_261 = tpu.memref_slice %arg4[%dma_start3A_260, %mul3A_248] : memref<16x3968xf32, #tpu.memory_space<vmem>> -> memref<16x2048xf32, #tpu.memory_space<vmem>>
      tpu.enqueue_dma source(%dma_start3A_261 : memref<16x2048xf32, #tpu.memory_space<vmem>>) target(%dma_start3A_259 : memref<16x2048xf32, #tpu.memory_space<hbm>>) target_semaphore(%arg6 : memref<!tpu.dma_semaphore, #tpu.memory_space<semaphore_mem>>)
    }
    %scan3A_63 = arith.constant 16 : i32
    %add3A_64 = arith.constant 0 : i32
    %add3A_65 = arith.addi %add3A_64, %select_n3A : i32
    %sub3A_66 = arith.constant 12 : i32
    %sub3A_67 = arith.subi %sub3A_66, %mul3A_32 : i32
    %mul3A_68 = arith.constant 8 : i32
    %mul3A_69 = arith.muli %mul3A_68, %sub3A_67 : i32
    %add3A_70 = arith.constant 16 : i32
    %add3A_71 = arith.addi %mul3A_69, %add3A_70 : i32
    %dma_start3A_72 = arith.constant 0 : i32
    %dma_start3A_73 = tpu.memref_slice %arg2[%add3A_65, %add3A_71, %dma_start3A_72] : memref<16x128x3968xf32, #tpu.memory_space<hbm>> -> memref<1x16x3968xf32, #tpu.memory_space<hbm>>
    %dma_start3A_74 = tpu.memref_squeeze %dma_start3A_73 : memref<1x16x3968xf32, #tpu.memory_space<hbm>> -> memref<16x3968xf32, #tpu.memory_space<hbm>>
    %dma_start3A_75 = arith.constant 0 : i32
    %dma_start3A_76 = tpu.memref_slice %arg2[%add3A_65, %add3A_71, %dma_start3A_75] : memref<16x128x3968xf32, #tpu.memory_space<hbm>> -> memref<1x16x3968xf32, #tpu.memory_space<hbm>>
    %dma_start3A_77 = tpu.memref_squeeze %dma_start3A_76 : memref<1x16x3968xf32, #tpu.memory_space<hbm>> -> memref<16x3968xf32, #tpu.memory_space<hbm>>
    tpu.enqueue_dma source(%dma_start3A_77 : memref<16x3968xf32, #tpu.memory_space<hbm>>) target(%arg5 : memref<16x3968xf32, #tpu.memory_space<vmem>>) target_semaphore(%arg7 : memref<!tpu.dma_semaphore, #tpu.memory_space<semaphore_mem>>)
    %add3A_78 = arith.constant 0 : i32
    %add3A_79 = arith.addi %add3A_78, %select_n3A : i32
    %mul3A_80 = arith.constant 8 : i32
    %mul3A_81 = arith.muli %mul3A_80, %mul3A_32 : i32
    %sub3A_82 = arith.constant 2016 : i32
    %sub3A_83 = arith.subi %sub3A_82, %mul3A_81 : i32
    %add3A_84 = arith.constant 0 : i32
    %add3A_85 = arith.addi %sub3A_83, %add3A_84 : i32
    %scan3A_86 = arith.constant 0 : i32
    %scan3A_87 = arith.constant 0 : i32
    %scan3A_88 = arith.constant 16 : i32
    %scan3A_89 = arith.addi %scan3A_87, %scan3A_88 : i32
    %scan3A_90 = arith.constant 1 : i32
    scf.for %scan3A_246 = %scan3A_87 to %scan3A_89 step %scan3A_90  : i32 {
      %mul3A_247 = arith.constant 128 : i32
      %mul3A_248 = arith.muli %mul3A_247, %scan3A_246 : i32
      %mul3A_249 = arith.constant 128 : i32
      %mul3A_250 = arith.muli %mul3A_249, %scan3A_246 : i32
      %sub3A_251 = arith.subi %add3A_85, %mul3A_250 : i32
      %dma_wait3A_252 = arith.constant 0 : i32
      %dma_wait3A_253 = tpu.memref_slice %arg4[%dma_wait3A_252, %mul3A_248] : memref<16x3968xf32, #tpu.memory_space<vmem>> -> memref<16x2048xf32, #tpu.memory_space<vmem>>
      %dma_wait3A_254 = arith.constant 0 : i32
      %dma_wait3A_255 = tpu.memref_slice %arg3[%add3A_79, %sub3A_251, %dma_wait3A_254] : memref<16x2048x2048xf32, #tpu.memory_space<hbm>> -> memref<1x16x2048xf32, #tpu.memory_space<hbm>>
      %dma_wait3A_256 = tpu.memref_squeeze %dma_wait3A_255 : memref<1x16x2048xf32, #tpu.memory_space<hbm>> -> memref<16x2048xf32, #tpu.memory_space<hbm>>
      %dma_wait3A_257 = arith.constant 0 : i32
      %dma_wait3A_258 = tpu.memref_slice %arg3[%add3A_79, %sub3A_251, %dma_wait3A_257] : memref<16x2048x2048xf32, #tpu.memory_space<hbm>> -> memref<1x16x2048xf32, #tpu.memory_space<hbm>>
      %dma_wait3A_259 = tpu.memref_squeeze %dma_wait3A_258 : memref<1x16x2048xf32, #tpu.memory_space<hbm>> -> memref<16x2048xf32, #tpu.memory_space<hbm>>
      %dma_wait3A_260 = arith.constant 0 : i32
      %dma_wait3A_261 = tpu.memref_slice %arg4[%dma_wait3A_260, %mul3A_248] : memref<16x3968xf32, #tpu.memory_space<vmem>> -> memref<16x2048xf32, #tpu.memory_space<vmem>>
      tpu.wait_dma2 semaphore(%arg6 : memref<!tpu.dma_semaphore, #tpu.memory_space<semaphore_mem>>) src(%dma_wait3A_261 : memref<16x2048xf32, #tpu.memory_space<vmem>>) dst(%dma_wait3A_259 : memref<16x2048xf32, #tpu.memory_space<hbm>>)
    }
    %scan3A_91 = arith.constant 16 : i32
    %add3A_92 = arith.constant 0 : i32
    %add3A_93 = arith.addi %add3A_92, %select_n3A : i32
    %sub3A_94 = arith.constant 12 : i32
    %sub3A_95 = arith.subi %sub3A_94, %mul3A_32 : i32
    %mul3A_96 = arith.constant 8 : i32
    %mul3A_97 = arith.muli %mul3A_96, %sub3A_95 : i32
    %add3A_98 = arith.constant 16 : i32
    %add3A_99 = arith.addi %mul3A_97, %add3A_98 : i32
    %dma_wait3A_100 = arith.constant 0 : i32
    %dma_wait3A_101 = tpu.memref_slice %arg2[%add3A_93, %add3A_99, %dma_wait3A_100] : memref<16x128x3968xf32, #tpu.memory_space<hbm>> -> memref<1x16x3968xf32, #tpu.memory_space<hbm>>
    %dma_wait3A_102 = tpu.memref_squeeze %dma_wait3A_101 : memref<1x16x3968xf32, #tpu.memory_space<hbm>> -> memref<16x3968xf32, #tpu.memory_space<hbm>>
    %dma_wait3A_103 = arith.constant 0 : i32
    %dma_wait3A_104 = tpu.memref_slice %arg2[%add3A_93, %add3A_99, %dma_wait3A_103] : memref<16x128x3968xf32, #tpu.memory_space<hbm>> -> memref<1x16x3968xf32, #tpu.memory_space<hbm>>
    %dma_wait3A_105 = tpu.memref_squeeze %dma_wait3A_104 : memref<1x16x3968xf32, #tpu.memory_space<hbm>> -> memref<16x3968xf32, #tpu.memory_space<hbm>>
    tpu.wait_dma2 semaphore(%arg7 : memref<!tpu.dma_semaphore, #tpu.memory_space<semaphore_mem>>) src(%dma_wait3A_105 : memref<16x3968xf32, #tpu.memory_space<hbm>>) dst(%arg5 : memref<16x3968xf32, #tpu.memory_space<vmem>>)
    %add3A_106 = arith.constant 0 : i32
    %add3A_107 = arith.addi %add3A_106, %select_n3A : i32
    %mul3A_108 = arith.constant 8 : i32
    %mul3A_109 = arith.muli %mul3A_108, %mul3A_32 : i32
    %sub3A_110 = arith.constant 2016 : i32
    %sub3A_111 = arith.subi %sub3A_110, %mul3A_109 : i32
    %add3A_112 = arith.constant 16 : i32
    %add3A_113 = arith.addi %sub3A_111, %add3A_112 : i32
    %scan3A_114 = arith.constant 0 : i32
    %scan3A_115 = arith.constant 0 : i32
    %scan3A_116 = arith.constant 16 : i32
    %scan3A_117 = arith.addi %scan3A_115, %scan3A_116 : i32
    %scan3A_118 = arith.constant 1 : i32
    scf.for %scan3A_246 = %scan3A_115 to %scan3A_117 step %scan3A_118  : i32 {
      %mul3A_247 = arith.constant 128 : i32
      %mul3A_248 = arith.muli %mul3A_247, %scan3A_246 : i32
      %mul3A_249 = arith.constant 128 : i32
      %mul3A_250 = arith.muli %mul3A_249, %scan3A_246 : i32
      %sub3A_251 = arith.subi %add3A_113, %mul3A_250 : i32
      %dma_start3A_252 = arith.constant 0 : i32
      %dma_start3A_253 = tpu.memref_slice %arg5[%dma_start3A_252, %mul3A_248] : memref<16x3968xf32, #tpu.memory_space<vmem>> -> memref<16x2048xf32, #tpu.memory_space<vmem>>
      %dma_start3A_254 = arith.constant 0 : i32
      %dma_start3A_255 = tpu.memref_slice %arg3[%add3A_107, %sub3A_251, %dma_start3A_254] : memref<16x2048x2048xf32, #tpu.memory_space<hbm>> -> memref<1x16x2048xf32, #tpu.memory_space<hbm>>
      %dma_start3A_256 = tpu.memref_squeeze %dma_start3A_255 : memref<1x16x2048xf32, #tpu.memory_space<hbm>> -> memref<16x2048xf32, #tpu.memory_space<hbm>>
      %dma_start3A_257 = arith.constant 0 : i32
      %dma_start3A_258 = tpu.memref_slice %arg3[%add3A_107, %sub3A_251, %dma_start3A_257] : memref<16x2048x2048xf32, #tpu.memory_space<hbm>> -> memref<1x16x2048xf32, #tpu.memory_space<hbm>>
      %dma_start3A_259 = tpu.memref_squeeze %dma_start3A_258 : memref<1x16x2048xf32, #tpu.memory_space<hbm>> -> memref<16x2048xf32, #tpu.memory_space<hbm>>
      %dma_start3A_260 = arith.constant 0 : i32
      %dma_start3A_261 = tpu.memref_slice %arg5[%dma_start3A_260, %mul3A_248] : memref<16x3968xf32, #tpu.memory_space<vmem>> -> memref<16x2048xf32, #tpu.memory_space<vmem>>
      tpu.enqueue_dma source(%dma_start3A_261 : memref<16x2048xf32, #tpu.memory_space<vmem>>) target(%dma_start3A_259 : memref<16x2048xf32, #tpu.memory_space<hbm>>) target_semaphore(%arg6 : memref<!tpu.dma_semaphore, #tpu.memory_space<semaphore_mem>>)
    }
    %scan3A_119 = arith.constant 16 : i32
    %add3A_120 = arith.constant 8 : i32
    %add3A_121 = arith.addi %add3A_120, %select_n3A : i32
    %sub3A_122 = arith.constant 12 : i32
    %sub3A_123 = arith.subi %sub3A_122, %mul3A_32 : i32
    %mul3A_124 = arith.constant 8 : i32
    %mul3A_125 = arith.muli %mul3A_124, %sub3A_123 : i32
    %add3A_126 = arith.constant 0 : i32
    %add3A_127 = arith.addi %mul3A_125, %add3A_126 : i32
    %dma_start3A_128 = arith.constant 0 : i32
    %dma_start3A_129 = tpu.memref_slice %arg2[%add3A_121, %add3A_127, %dma_start3A_128] : memref<16x128x3968xf32, #tpu.memory_space<hbm>> -> memref<1x16x3968xf32, #tpu.memory_space<hbm>>
    %dma_start3A_130 = tpu.memref_squeeze %dma_start3A_129 : memref<1x16x3968xf32, #tpu.memory_space<hbm>> -> memref<16x3968xf32, #tpu.memory_space<hbm>>
    %dma_start3A_131 = arith.constant 0 : i32
    %dma_start3A_132 = tpu.memref_slice %arg2[%add3A_121, %add3A_127, %dma_start3A_131] : memref<16x128x3968xf32, #tpu.memory_space<hbm>> -> memref<1x16x3968xf32, #tpu.memory_space<hbm>>
    %dma_start3A_133 = tpu.memref_squeeze %dma_start3A_132 : memref<1x16x3968xf32, #tpu.memory_space<hbm>> -> memref<16x3968xf32, #tpu.memory_space<hbm>>
    tpu.enqueue_dma source(%dma_start3A_133 : memref<16x3968xf32, #tpu.memory_space<hbm>>) target(%arg4 : memref<16x3968xf32, #tpu.memory_space<vmem>>) target_semaphore(%arg7 : memref<!tpu.dma_semaphore, #tpu.memory_space<semaphore_mem>>)
    %add3A_134 = arith.constant 0 : i32
    %add3A_135 = arith.addi %add3A_134, %select_n3A : i32
    %mul3A_136 = arith.constant 8 : i32
    %mul3A_137 = arith.muli %mul3A_136, %mul3A_32 : i32
    %sub3A_138 = arith.constant 2016 : i32
    %sub3A_139 = arith.subi %sub3A_138, %mul3A_137 : i32
    %add3A_140 = arith.constant 16 : i32
    %add3A_141 = arith.addi %sub3A_139, %add3A_140 : i32
    %scan3A_142 = arith.constant 0 : i32
    %scan3A_143 = arith.constant 0 : i32
    %scan3A_144 = arith.constant 16 : i32
    %scan3A_145 = arith.addi %scan3A_143, %scan3A_144 : i32
    %scan3A_146 = arith.constant 1 : i32
    scf.for %scan3A_246 = %scan3A_143 to %scan3A_145 step %scan3A_146  : i32 {
      %mul3A_247 = arith.constant 128 : i32
      %mul3A_248 = arith.muli %mul3A_247, %scan3A_246 : i32
      %mul3A_249 = arith.constant 128 : i32
      %mul3A_250 = arith.muli %mul3A_249, %scan3A_246 : i32
      %sub3A_251 = arith.subi %add3A_141, %mul3A_250 : i32
      %dma_wait3A_252 = arith.constant 0 : i32
      %dma_wait3A_253 = tpu.memref_slice %arg5[%dma_wait3A_252, %mul3A_248] : memref<16x3968xf32, #tpu.memory_space<vmem>> -> memref<16x2048xf32, #tpu.memory_space<vmem>>
      %dma_wait3A_254 = arith.constant 0 : i32
      %dma_wait3A_255 = tpu.memref_slice %arg3[%add3A_135, %sub3A_251, %dma_wait3A_254] : memref<16x2048x2048xf32, #tpu.memory_space<hbm>> -> memref<1x16x2048xf32, #tpu.memory_space<hbm>>
      %dma_wait3A_256 = tpu.memref_squeeze %dma_wait3A_255 : memref<1x16x2048xf32, #tpu.memory_space<hbm>> -> memref<16x2048xf32, #tpu.memory_space<hbm>>
      %dma_wait3A_257 = arith.constant 0 : i32
      %dma_wait3A_258 = tpu.memref_slice %arg3[%add3A_135, %sub3A_251, %dma_wait3A_257] : memref<16x2048x2048xf32, #tpu.memory_space<hbm>> -> memref<1x16x2048xf32, #tpu.memory_space<hbm>>
      %dma_wait3A_259 = tpu.memref_squeeze %dma_wait3A_258 : memref<1x16x2048xf32, #tpu.memory_space<hbm>> -> memref<16x2048xf32, #tpu.memory_space<hbm>>
      %dma_wait3A_260 = arith.constant 0 : i32
      %dma_wait3A_261 = tpu.memref_slice %arg5[%dma_wait3A_260, %mul3A_248] : memref<16x3968xf32, #tpu.memory_space<vmem>> -> memref<16x2048xf32, #tpu.memory_space<vmem>>
      tpu.wait_dma2 semaphore(%arg6 : memref<!tpu.dma_semaphore, #tpu.memory_space<semaphore_mem>>) src(%dma_wait3A_261 : memref<16x2048xf32, #tpu.memory_space<vmem>>) dst(%dma_wait3A_259 : memref<16x2048xf32, #tpu.memory_space<hbm>>)
    }
    %scan3A_147 = arith.constant 16 : i32
    %add3A_148 = arith.constant 8 : i32
    %add3A_149 = arith.addi %add3A_148, %select_n3A : i32
    %sub3A_150 = arith.constant 12 : i32
    %sub3A_151 = arith.subi %sub3A_150, %mul3A_32 : i32
    %mul3A_152 = arith.constant 8 : i32
    %mul3A_153 = arith.muli %mul3A_152, %sub3A_151 : i32
    %add3A_154 = arith.constant 0 : i32
    %add3A_155 = arith.addi %mul3A_153, %add3A_154 : i32
    %dma_wait3A_156 = arith.constant 0 : i32
    %dma_wait3A_157 = tpu.memref_slice %arg2[%add3A_149, %add3A_155, %dma_wait3A_156] : memref<16x128x3968xf32, #tpu.memory_space<hbm>> -> memref<1x16x3968xf32, #tpu.memory_space<hbm>>
    %dma_wait3A_158 = tpu.memref_squeeze %dma_wait3A_157 : memref<1x16x3968xf32, #tpu.memory_space<hbm>> -> memref<16x3968xf32, #tpu.memory_space<hbm>>
    %dma_wait3A_159 = arith.constant 0 : i32
    %dma_wait3A_160 = tpu.memref_slice %arg2[%add3A_149, %add3A_155, %dma_wait3A_159] : memref<16x128x3968xf32, #tpu.memory_space<hbm>> -> memref<1x16x3968xf32, #tpu.memory_space<hbm>>
    %dma_wait3A_161 = tpu.memref_squeeze %dma_wait3A_160 : memref<1x16x3968xf32, #tpu.memory_space<hbm>> -> memref<16x3968xf32, #tpu.memory_space<hbm>>
    tpu.wait_dma2 semaphore(%arg7 : memref<!tpu.dma_semaphore, #tpu.memory_space<semaphore_mem>>) src(%dma_wait3A_161 : memref<16x3968xf32, #tpu.memory_space<hbm>>) dst(%arg4 : memref<16x3968xf32, #tpu.memory_space<vmem>>)
    %add3A_162 = arith.constant 8 : i32
    %add3A_163 = arith.addi %add3A_162, %select_n3A : i32
    %mul3A_164 = arith.constant 8 : i32
    %mul3A_165 = arith.muli %mul3A_164, %mul3A_32 : i32
    %sub3A_166 = arith.constant 2016 : i32
    %sub3A_167 = arith.subi %sub3A_166, %mul3A_165 : i32
    %add3A_168 = arith.constant 0 : i32
    %add3A_169 = arith.addi %sub3A_167, %add3A_168 : i32
    %scan3A_170 = arith.constant 0 : i32
    %scan3A_171 = arith.constant 0 : i32
    %scan3A_172 = arith.constant 16 : i32
    %scan3A_173 = arith.addi %scan3A_171, %scan3A_172 : i32
    %scan3A_174 = arith.constant 1 : i32
    scf.for %scan3A_246 = %scan3A_171 to %scan3A_173 step %scan3A_174  : i32 {
      %mul3A_247 = arith.constant 128 : i32
      %mul3A_248 = arith.muli %mul3A_247, %scan3A_246 : i32
      %mul3A_249 = arith.constant 128 : i32
      %mul3A_250 = arith.muli %mul3A_249, %scan3A_246 : i32
      %sub3A_251 = arith.subi %add3A_169, %mul3A_250 : i32
      %dma_start3A_252 = arith.constant 0 : i32
      %dma_start3A_253 = tpu.memref_slice %arg4[%dma_start3A_252, %mul3A_248] : memref<16x3968xf32, #tpu.memory_space<vmem>> -> memref<16x2048xf32, #tpu.memory_space<vmem>>
      %dma_start3A_254 = arith.constant 0 : i32
      %dma_start3A_255 = tpu.memref_slice %arg3[%add3A_163, %sub3A_251, %dma_start3A_254] : memref<16x2048x2048xf32, #tpu.memory_space<hbm>> -> memref<1x16x2048xf32, #tpu.memory_space<hbm>>
      %dma_start3A_256 = tpu.memref_squeeze %dma_start3A_255 : memref<1x16x2048xf32, #tpu.memory_space<hbm>> -> memref<16x2048xf32, #tpu.memory_space<hbm>>
      %dma_start3A_257 = arith.constant 0 : i32
      %dma_start3A_258 = tpu.memref_slice %arg3[%add3A_163, %sub3A_251, %dma_start3A_257] : memref<16x2048x2048xf32, #tpu.memory_space<hbm>> -> memref<1x16x2048xf32, #tpu.memory_space<hbm>>
      %dma_start3A_259 = tpu.memref_squeeze %dma_start3A_258 : memref<1x16x2048xf32, #tpu.memory_space<hbm>> -> memref<16x2048xf32, #tpu.memory_space<hbm>>
      %dma_start3A_260 = arith.constant 0 : i32
      %dma_start3A_261 = tpu.memref_slice %arg4[%dma_start3A_260, %mul3A_248] : memref<16x3968xf32, #tpu.memory_space<vmem>> -> memref<16x2048xf32, #tpu.memory_space<vmem>>
      tpu.enqueue_dma source(%dma_start3A_261 : memref<16x2048xf32, #tpu.memory_space<vmem>>) target(%dma_start3A_259 : memref<16x2048xf32, #tpu.memory_space<hbm>>) target_semaphore(%arg6 : memref<!tpu.dma_semaphore, #tpu.memory_space<semaphore_mem>>)
    }
    %scan3A_175 = arith.constant 16 : i32
    %add3A_176 = arith.constant 8 : i32
    %add3A_177 = arith.addi %add3A_176, %select_n3A : i32
    %sub3A_178 = arith.constant 12 : i32
    %sub3A_179 = arith.subi %sub3A_178, %mul3A_32 : i32
    %mul3A_180 = arith.constant 8 : i32
    %mul3A_181 = arith.muli %mul3A_180, %sub3A_179 : i32
    %add3A_182 = arith.constant 16 : i32
    %add3A_183 = arith.addi %mul3A_181, %add3A_182 : i32
    %dma_start3A_184 = arith.constant 0 : i32
    %dma_start3A_185 = tpu.memref_slice %arg2[%add3A_177, %add3A_183, %dma_start3A_184] : memref<16x128x3968xf32, #tpu.memory_space<hbm>> -> memref<1x16x3968xf32, #tpu.memory_space<hbm>>
    %dma_start3A_186 = tpu.memref_squeeze %dma_start3A_185 : memref<1x16x3968xf32, #tpu.memory_space<hbm>> -> memref<16x3968xf32, #tpu.memory_space<hbm>>
    %dma_start3A_187 = arith.constant 0 : i32
    %dma_start3A_188 = tpu.memref_slice %arg2[%add3A_177, %add3A_183, %dma_start3A_187] : memref<16x128x3968xf32, #tpu.memory_space<hbm>> -> memref<1x16x3968xf32, #tpu.memory_space<hbm>>
    %dma_start3A_189 = tpu.memref_squeeze %dma_start3A_188 : memref<1x16x3968xf32, #tpu.memory_space<hbm>> -> memref<16x3968xf32, #tpu.memory_space<hbm>>
    tpu.enqueue_dma source(%dma_start3A_189 : memref<16x3968xf32, #tpu.memory_space<hbm>>) target(%arg5 : memref<16x3968xf32, #tpu.memory_space<vmem>>) target_semaphore(%arg7 : memref<!tpu.dma_semaphore, #tpu.memory_space<semaphore_mem>>)
    %add3A_190 = arith.constant 8 : i32
    %add3A_191 = arith.addi %add3A_190, %select_n3A : i32
    %mul3A_192 = arith.constant 8 : i32
    %mul3A_193 = arith.muli %mul3A_192, %mul3A_32 : i32
    %sub3A_194 = arith.constant 2016 : i32
    %sub3A_195 = arith.subi %sub3A_194, %mul3A_193 : i32
    %add3A_196 = arith.constant 0 : i32
    %add3A_197 = arith.addi %sub3A_195, %add3A_196 : i32
    %scan3A_198 = arith.constant 0 : i32
    %scan3A_199 = arith.constant 0 : i32
    %scan3A_200 = arith.constant 16 : i32
    %scan3A_201 = arith.addi %scan3A_199, %scan3A_200 : i32
    %scan3A_202 = arith.constant 1 : i32
    scf.for %scan3A_246 = %scan3A_199 to %scan3A_201 step %scan3A_202  : i32 {
      %mul3A_247 = arith.constant 128 : i32
      %mul3A_248 = arith.muli %mul3A_247, %scan3A_246 : i32
      %mul3A_249 = arith.constant 128 : i32
      %mul3A_250 = arith.muli %mul3A_249, %scan3A_246 : i32
      %sub3A_251 = arith.subi %add3A_197, %mul3A_250 : i32
      %dma_wait3A_252 = arith.constant 0 : i32
      %dma_wait3A_253 = tpu.memref_slice %arg4[%dma_wait3A_252, %mul3A_248] : memref<16x3968xf32, #tpu.memory_space<vmem>> -> memref<16x2048xf32, #tpu.memory_space<vmem>>
      %dma_wait3A_254 = arith.constant 0 : i32
      %dma_wait3A_255 = tpu.memref_slice %arg3[%add3A_191, %sub3A_251, %dma_wait3A_254] : memref<16x2048x2048xf32, #tpu.memory_space<hbm>> -> memref<1x16x2048xf32, #tpu.memory_space<hbm>>
      %dma_wait3A_256 = tpu.memref_squeeze %dma_wait3A_255 : memref<1x16x2048xf32, #tpu.memory_space<hbm>> -> memref<16x2048xf32, #tpu.memory_space<hbm>>
      %dma_wait3A_257 = arith.constant 0 : i32
      %dma_wait3A_258 = tpu.memref_slice %arg3[%add3A_191, %sub3A_251, %dma_wait3A_257] : memref<16x2048x2048xf32, #tpu.memory_space<hbm>> -> memref<1x16x2048xf32, #tpu.memory_space<hbm>>
      %dma_wait3A_259 = tpu.memref_squeeze %dma_wait3A_258 : memref<1x16x2048xf32, #tpu.memory_space<hbm>> -> memref<16x2048xf32, #tpu.memory_space<hbm>>
      %dma_wait3A_260 = arith.constant 0 : i32
      %dma_wait3A_261 = tpu.memref_slice %arg4[%dma_wait3A_260, %mul3A_248] : memref<16x3968xf32, #tpu.memory_space<vmem>> -> memref<16x2048xf32, #tpu.memory_space<vmem>>
      tpu.wait_dma2 semaphore(%arg6 : memref<!tpu.dma_semaphore, #tpu.memory_space<semaphore_mem>>) src(%dma_wait3A_261 : memref<16x2048xf32, #tpu.memory_space<vmem>>) dst(%dma_wait3A_259 : memref<16x2048xf32, #tpu.memory_space<hbm>>)
    }
    %scan3A_203 = arith.constant 16 : i32
    %add3A_204 = arith.constant 8 : i32
    %add3A_205 = arith.addi %add3A_204, %select_n3A : i32
    %sub3A_206 = arith.constant 12 : i32
    %sub3A_207 = arith.subi %sub3A_206, %mul3A_32 : i32
    %mul3A_208 = arith.constant 8 : i32
    %mul3A_209 = arith.muli %mul3A_208, %sub3A_207 : i32
    %add3A_210 = arith.constant 16 : i32
    %add3A_211 = arith.addi %mul3A_209, %add3A_210 : i32
    %dma_wait3A_212 = arith.constant 0 : i32
    %dma_wait3A_213 = tpu.memref_slice %arg2[%add3A_205, %add3A_211, %dma_wait3A_212] : memref<16x128x3968xf32, #tpu.memory_space<hbm>> -> memref<1x16x3968xf32, #tpu.memory_space<hbm>>
    %dma_wait3A_214 = tpu.memref_squeeze %dma_wait3A_213 : memref<1x16x3968xf32, #tpu.memory_space<hbm>> -> memref<16x3968xf32, #tpu.memory_space<hbm>>
    %dma_wait3A_215 = arith.constant 0 : i32
    %dma_wait3A_216 = tpu.memref_slice %arg2[%add3A_205, %add3A_211, %dma_wait3A_215] : memref<16x128x3968xf32, #tpu.memory_space<hbm>> -> memref<1x16x3968xf32, #tpu.memory_space<hbm>>
    %dma_wait3A_217 = tpu.memref_squeeze %dma_wait3A_216 : memref<1x16x3968xf32, #tpu.memory_space<hbm>> -> memref<16x3968xf32, #tpu.memory_space<hbm>>
    tpu.wait_dma2 semaphore(%arg7 : memref<!tpu.dma_semaphore, #tpu.memory_space<semaphore_mem>>) src(%dma_wait3A_217 : memref<16x3968xf32, #tpu.memory_space<hbm>>) dst(%arg5 : memref<16x3968xf32, #tpu.memory_space<vmem>>)
    %add3A_218 = arith.constant 8 : i32
    %add3A_219 = arith.addi %add3A_218, %select_n3A : i32
    %mul3A_220 = arith.constant 8 : i32
    %mul3A_221 = arith.muli %mul3A_220, %mul3A_32 : i32
    %sub3A_222 = arith.constant 2016 : i32
    %sub3A_223 = arith.subi %sub3A_222, %mul3A_221 : i32
    %add3A_224 = arith.constant 16 : i32
    %add3A_225 = arith.addi %sub3A_223, %add3A_224 : i32
    %scan3A_226 = arith.constant 0 : i32
    %scan3A_227 = arith.constant 0 : i32
    %scan3A_228 = arith.constant 16 : i32
    %scan3A_229 = arith.addi %scan3A_227, %scan3A_228 : i32
    %scan3A_230 = arith.constant 1 : i32
    scf.for %scan3A_246 = %scan3A_227 to %scan3A_229 step %scan3A_230  : i32 {
      %mul3A_247 = arith.constant 128 : i32
      %mul3A_248 = arith.muli %mul3A_247, %scan3A_246 : i32
      %mul3A_249 = arith.constant 128 : i32
      %mul3A_250 = arith.muli %mul3A_249, %scan3A_246 : i32
      %sub3A_251 = arith.subi %add3A_225, %mul3A_250 : i32
      %dma_start3A_252 = arith.constant 0 : i32
      %dma_start3A_253 = tpu.memref_slice %arg5[%dma_start3A_252, %mul3A_248] : memref<16x3968xf32, #tpu.memory_space<vmem>> -> memref<16x2048xf32, #tpu.memory_space<vmem>>
      %dma_start3A_254 = arith.constant 0 : i32
      %dma_start3A_255 = tpu.memref_slice %arg3[%add3A_219, %sub3A_251, %dma_start3A_254] : memref<16x2048x2048xf32, #tpu.memory_space<hbm>> -> memref<1x16x2048xf32, #tpu.memory_space<hbm>>
      %dma_start3A_256 = tpu.memref_squeeze %dma_start3A_255 : memref<1x16x2048xf32, #tpu.memory_space<hbm>> -> memref<16x2048xf32, #tpu.memory_space<hbm>>
      %dma_start3A_257 = arith.constant 0 : i32
      %dma_start3A_258 = tpu.memref_slice %arg3[%add3A_219, %sub3A_251, %dma_start3A_257] : memref<16x2048x2048xf32, #tpu.memory_space<hbm>> -> memref<1x16x2048xf32, #tpu.memory_space<hbm>>
      %dma_start3A_259 = tpu.memref_squeeze %dma_start3A_258 : memref<1x16x2048xf32, #tpu.memory_space<hbm>> -> memref<16x2048xf32, #tpu.memory_space<hbm>>
      %dma_start3A_260 = arith.constant 0 : i32
      %dma_start3A_261 = tpu.memref_slice %arg5[%dma_start3A_260, %mul3A_248] : memref<16x3968xf32, #tpu.memory_space<vmem>> -> memref<16x2048xf32, #tpu.memory_space<vmem>>
      tpu.enqueue_dma source(%dma_start3A_261 : memref<16x2048xf32, #tpu.memory_space<vmem>>) target(%dma_start3A_259 : memref<16x2048xf32, #tpu.memory_space<hbm>>) target_semaphore(%arg6 : memref<!tpu.dma_semaphore, #tpu.memory_space<semaphore_mem>>)
    }
    %scan3A_231 = arith.constant 16 : i32
    %add3A_232 = arith.constant 8 : i32
    %add3A_233 = arith.addi %add3A_232, %select_n3A : i32
    %mul3A_234 = arith.constant 8 : i32
    %mul3A_235 = arith.muli %mul3A_234, %mul3A_32 : i32
    %sub3A_236 = arith.constant 2016 : i32
    %sub3A_237 = arith.subi %sub3A_236, %mul3A_235 : i32
    %add3A_238 = arith.constant 16 : i32
    %add3A_239 = arith.addi %sub3A_237, %add3A_238 : i32
    %scan3A_240 = arith.constant 0 : i32
    %scan3A_241 = arith.constant 0 : i32
    %scan3A_242 = arith.constant 16 : i32
    %scan3A_243 = arith.addi %scan3A_241, %scan3A_242 : i32
    %scan3A_244 = arith.constant 1 : i32
    scf.for %scan3A_246 = %scan3A_241 to %scan3A_243 step %scan3A_244  : i32 {
      %mul3A_247 = arith.constant 128 : i32
      %mul3A_248 = arith.muli %mul3A_247, %scan3A_246 : i32
      %mul3A_249 = arith.constant 128 : i32
      %mul3A_250 = arith.muli %mul3A_249, %scan3A_246 : i32
      %sub3A_251 = arith.subi %add3A_239, %mul3A_250 : i32
      %dma_wait3A_252 = arith.constant 0 : i32
      %dma_wait3A_253 = tpu.memref_slice %arg5[%dma_wait3A_252, %mul3A_248] : memref<16x3968xf32, #tpu.memory_space<vmem>> -> memref<16x2048xf32, #tpu.memory_space<vmem>>
      %dma_wait3A_254 = arith.constant 0 : i32
      %dma_wait3A_255 = tpu.memref_slice %arg3[%add3A_233, %sub3A_251, %dma_wait3A_254] : memref<16x2048x2048xf32, #tpu.memory_space<hbm>> -> memref<1x16x2048xf32, #tpu.memory_space<hbm>>
      %dma_wait3A_256 = tpu.memref_squeeze %dma_wait3A_255 : memref<1x16x2048xf32, #tpu.memory_space<hbm>> -> memref<16x2048xf32, #tpu.memory_space<hbm>>
      %dma_wait3A_257 = arith.constant 0 : i32
      %dma_wait3A_258 = tpu.memref_slice %arg3[%add3A_233, %sub3A_251, %dma_wait3A_257] : memref<16x2048x2048xf32, #tpu.memory_space<hbm>> -> memref<1x16x2048xf32, #tpu.memory_space<hbm>>
      %dma_wait3A_259 = tpu.memref_squeeze %dma_wait3A_258 : memref<1x16x2048xf32, #tpu.memory_space<hbm>> -> memref<16x2048xf32, #tpu.memory_space<hbm>>
      %dma_wait3A_260 = arith.constant 0 : i32
      %dma_wait3A_261 = tpu.memref_slice %arg5[%dma_wait3A_260, %mul3A_248] : memref<16x3968xf32, #tpu.memory_space<vmem>> -> memref<16x2048xf32, #tpu.memory_space<vmem>>
      tpu.wait_dma2 semaphore(%arg6 : memref<!tpu.dma_semaphore, #tpu.memory_space<semaphore_mem>>) src(%dma_wait3A_261 : memref<16x2048xf32, #tpu.memory_space<vmem>>) dst(%dma_wait3A_259 : memref<16x2048xf32, #tpu.memory_space<hbm>>)
    }
    %scan3A_245 = arith.constant 16 : i32
    return
  }
}

</mosaic_0001>

<sc_bundles>
// kernel: kernel.3.cloned.1.call-start
scs
__scs_entry_jumppad:
0x0: {  	(pc) =	sbr.rel $0x88, $3  }
0x1: {  	(tag) =	ssettag $0x0;
	lr =	simm.s32 $0x1  }
0x2: {  	[smem:$0x3FA0] =	sst lr;
	_ =	strace $0xD0000000  }
0x3: {  	_ = 	snop  }
0x4: {  	_ = 	snop  }
0x5: {  	_ = 	snop  }
0x6: {  	_ = 	snop  }
0x7: {  	_ = 	snop  }
__scs_overlays_trampoline_lowered:
0x8: {  	[smem:$0x3FAF] =	sst s0  }
0x9: {  	[smem:$0x3FB0] =	sst s1  }
0xa: {  	[smem:$0x3FB1] =	sst s2  }
0xb: {  	[smem:$0x3FB2] =	sst s3  }
0xc: {  	[smem:$0x3FB3] =	sst s4  }
0xd: {  	[smem:$0x3FB4] =	sst s5  }
0xe: {  	[smem:$0x3FB5] =	sst s6  }
0xf: {  	[smem:$0x3FB6] =	sst s7  }
0x10: {  	[smem:$0x3FB7] =	sst s8  }
0x11: {  	[smem:$0x3FB8] =	sst s9;
	s0 =	simm.s32 @!p0 $0x0  }
0x12: {  	s1 =	sld [smem:$0x3F9E];
	s0 =	simm.s32 @p0 $0x1  }
0x13: {  	[smem:$0x3FB9] =	sst s0;
	s0 =	simm.s32 @!p1 $0x0  }
0x14: {  	s2 =	sld [smem:$0x3F9D];
	s0 =	simm.s32 @p1 $0x1  }
0x15: {  	[smem:$0x3FBA] =	sst s0;
	s0 =	simm.s32 @!p2 $0x0  }
0x16: {  	s3 =	sld [smem:$0x3FDB];
	s0 =	simm.s32 @p2 $0x1  }
0x17: {  	s4 =	simm.s32 $0x1BF5;
	[smem:$0x3FBC] =	sst s0  }
0x18: {  	s0 =	sld [smem:$0x3F9F];
	_ =	swait.ge [sflag:s4], $0x0  }
0x19: {  	s7 =	sld [smem:$0x3FA0]  }
0x1a: {  	s8 =	sadd.s32 $0xFFFFE003, lr  }
0x1b: {  	s9 =	sadd.s32 $0xFFFFFEF7, lr;
	s5 =	simm.s32 $0xFFFFFFFF;
	p2 =	slt.u32 s8, $0xFFFFF086  }
0x1c: {  	p1 =	slt.u32 s9, $0xF7A;
	s5 =	simm.s32 @!p2 $0x0  }
0x1d: {  	s5 =	simm.s32 @p1 $0x1;
	p0 =	seq.s32 s7, s2  }
0x1e: {  	s7 =	smul.u32 @!p0 $0xF7A, s2;
	p2 =	seq.s32 @!p0 s5, $0x0  }
0x1f: {  	s9 =	smul.u32 $0xF7A, s1;
	s8 =	simm.s32 @!p0 $0x1BF5;
	p2 =	por !p2, p0  }
0x20: {  	[sflag:s8] =	ssyncset.s32 @!p0 $0xFFFFF086;
	s6 =	sadd.s32 @!p0 s3, s7;
	s7 =	simm.s32 @!p0 $0x108  }
0x21: {  	s3 =	sadd.s32 s3, s9;
	s6 =	sadd.s32 @!p0 $0x88, s6;
	s7 =	simm.s32 @p2 $0x1082  }
0x22: {  	[simem:s7], [sflag:s8] =	dma.local @!p0 [hbm:s6], $0xF7A  }
0x23: {  	s9 =	sor.u32 $0xD0000000, s2;
	s6 =	simm.s32 $0x108;
	_ =	swait.ge @!p0 [sflag:s8], $0x0  }
0x24: {  	s3 =	sadd.s32 $0x88, s3;
	s6 =	simm.s32 @!p1 $0x1082;
	[sflag:s4] =	ssyncset.s32 $0xFFFFF086  }
0x25: {  	[simem:s6], [sflag:s4] =	dma.local [hbm:s3], $0xF7A  }
0x26: {  	[smem:$0x3FA0] =	sst s1;
	(tag) =	ssettag s2;
	_ =	strace s9  }
0x27: {  	s1 =	sld [smem:$0x3FB0]  }
0x28: {  	s2 =	sld [smem:$0x3FB1]  }
0x29: {  	s4 =	sld [smem:$0x3FB3]  }
0x2a: {  	p0 =	seq.s32 s5, $0x0;
	s5 =	sld [smem:$0x3FB4]  }
0x2b: {  	s6 =	sld [smem:$0x3FB5]  }
0x2c: {  	s7 =	sld [smem:$0x3FB6]  }
0x2d: {  	s3 =	simm.s32 $0x108;
	s8 =	sld [smem:$0x3FB7]  }
0x2e: {  	s3 =	simm.s32 @!p0 $0x1082;
	s9 =	sld [smem:$0x3FB8]  }
0x2f: {  	lr =	sadd.s32 s0, s3;
	s0 =	sld [smem:$0x3FAF]  }
0x30: {  	s3 =	sld [smem:$0x3FB2]  }
0x31: {  	[smem:$0x3FBB] =	sst s10  }
0x32: {  	s10 =	sld [smem:$0x3FB9];
	_ =	sdelay $0x3  }
0x33: {  	p0 =	seq.s32 s10, $0x1;
	s10 =	sld [smem:$0x3FBB];
	_ =	sdelay $0x3  }
0x34: {  	[smem:$0x3FBB] =	sst s10  }
0x35: {  	s10 =	sld [smem:$0x3FBA];
	_ =	sdelay $0x3  }
0x36: {  	p1 =	seq.s32 s10, $0x1;
	s10 =	sld [smem:$0x3FBB];
	_ =	sdelay $0x3  }
0x37: {  	[smem:$0x3FBB] =	sst s10  }
0x38: {  	s10 =	sld [smem:$0x3FBC]  }
0x39: {  	_ = 	snop;
	(pc) =	sbr.ind lr, $3  }
0x3a: {  	_ = 	snop  }
0x3b: {  	_ = 	snop  }
0x3c: {  	p2 =	seq.s32 s10, $0x1;
	s10 =	sld [smem:$0x3FBB]  }
0x3d: {  	_ =	shalt  }
0x3e: {  	_ =	shalt  }
0x3f: {  	_ =	shalt  }
0x40: {  	_ =	shalt  }
0x41: {  	_ =	shalt  }
0x42: {  	_ =	shalt  }
0x43: {  	_ =	shalt  }
0x44: {  	_ =	shalt  }
0x45: {  	_ =	shalt  }
0x46: {  	_ =	shalt  }
0x47: {  	_ =	shalt  }
0x48: {  	_ =	shalt  }
0x49: {  	_ =	shalt  }
0x4a: {  	_ =	shalt  }
0x4b: {  	_ =	shalt  }
0x4c: {  	_ =	shalt  }
0x4d: {  	_ =	shalt  }
0x4e: {  	_ =	shalt  }
0x4f: {  	_ =	shalt  }
0x50: {  	_ =	shalt  }
0x51: {  	_ =	shalt  }
0x52: {  	_ =	shalt  }
0x53: {  	_ =	shalt  }
0x54: {  	_ =	shalt  }
0x55: {  	_ =	shalt  }
0x56: {  	_ =	shalt  }
0x57: {  	_ =	shalt  }
0x58: {  	_ =	shalt  }
0x59: {  	_ =	shalt  }
0x5a: {  	_ =	shalt  }
0x5b: {  	_ =	shalt  }
0x5c: {  	_ =	shalt  }
0x5d: {  	_ =	shalt  }
0x5e: {  	_ =	shalt  }
0x5f: {  	_ =	shalt  }
0x60: {  	_ =	shalt  }
0x61: {  	_ =	shalt  }
0x62: {  	_ =	shalt  }
0x63: {  	_ =	shalt  }
0x64: {  	_ =	shalt  }
0x65: {  	_ =	shalt  }
0x66: {  	_ =	shalt  }
0x67: {  	_ =	shalt  }
0x68: {  	_ =	shalt  }
0x69: {  	_ =	shalt  }
0x6a: {  	_ =	shalt  }
0x6b: {  	_ =	shalt  }
0x6c: {  	_ =	shalt  }
0x6d: {  	_ =	shalt  }
0x6e: {  	_ =	shalt  }
0x6f: {  	_ =	shalt  }
0x70: {  	_ =	shalt  }
0x71: {  	_ =	shalt  }
0x72: {  	_ =	shalt  }
0x73: {  	_ =	shalt  }
0x74: {  	_ =	shalt  }
0x75: {  	_ =	shalt  }
0x76: {  	_ =	shalt  }
0x77: {  	_ =	shalt  }
0x78: {  	_ =	shalt  }
0x79: {  	_ =	shalt  }
0x7a: {  	_ =	shalt  }
0x7b: {  	_ =	shalt  }
0x7c: {  	_ =	shalt  }
0x7d: {  	_ =	shalt  }
0x7e: {  	_ =	shalt  }
0x7f: {  	_ =	shalt  }
0x80: {  	_ =	shalt  }
0x81: {  	_ =	shalt  }
0x82: {  	_ =	shalt  }
0x83: {  	_ =	shalt  }
0x84: {  	_ =	shalt  }
0x85: {  	_ =	shalt  }
0x86: {  	_ =	shalt  }
0x87: {  	_ =	shalt  }
.Lfunc_end0:
.L_simem_size_0:
called_computation_lowered:
.L_overlay_start_0:
0x88: {  	s2 =	sld [smem:$0x3FD9]  }
0x89: {  	s3 =	sld [smem:$0x3FFE];
	_ =	sdelay $0x1  }
0x8a: {  	s1 =	srdreg.scid  }
0x8b: {  	s0 =	sand.u32 $0x1, s1  }
0x8c: {  	s17 =	sshll.u32 s0, $0xA;
	s2 =	sadd.s32 s3, s2  }
0x8d: {  	s2 =	sadd.s32 s2, s17  }
0x8e: {  	[smem:$0x3FC7] =	sst s2  }
0x8f: {  	_ = 	snop  }
0x90: {  	s2 =	sld [smem:$0x3FD0];
	(tm) =	ssettm $0x1  }
0x91: {  	s18 =	sld [smem:$0x3FFB];
	_ =	sdelay $0x3  }
0x92: {  	_ =	strace s18  }
0x93: {  	s3 =	sld [smem:$0x3FFC];
	_ =	sdelay $0x3  }
0x94: {  	_ =	strace s3  }
0x95: {  	s3 =	sld [smem:$0x3FFD];
	_ =	sdelay $0x3  }
0x96: {  	_ =	strace s3  }
0x97: {  	_ =	strace $0x8FFFFFFF  }
0x98: {  	s19 =	sld [smem:$0x3FDB];
	_ =	sdelay $0x1  }
0x99: {  	s4 =	simm.s32 $_scs_section_size  }
0x9a: {  	s5 =	simm.s32 $_size__tile_overlayer_lowered;
	s6 =	simm.s32 $_tile_overlayer_lowered  }
0x9b: {  	s22 =	simm.s32 $0x1BFF;
	s21 =	sshll.u32 s6, $0x1;
	s3 =	sadd.s32 s4, s19  }
0x9c: {  	s7 =	simm.s32 $0x0;
	s20 =	sshll.u32 s5, $0x1;
	s5 =	sadd.s32 s21, s3  }
0x9d: {  	[timem:s7], [sflag:s22] =	dma.local [hbm:s5], s20  }
0x9e: {  	_ =	swait.ge [sflag:s22], s20  }
0x9f: {  	s4 =	ssub.s32 $0x0, s20;
	[sflag:s22] =	ssyncset.done $0x0  }
0xa0: {  	[sflag:s22] =	ssyncadd.s32 s4;
	_ =	sdelay $0x1  }
0xa1: {  	s23 =	simm.s32 $0x1B8B  }
0xa2: {  	_ =	swait.ge [sflag:s23], $0x1  }
0xa3: {  	[sflag:s23] =	ssyncset.done $0x0  }
0xa4: {  	s25 =	simm.s32 $0x1B8E;
	s24 =	sld [smem:$0x3FFE];
	[sflag:s23] =	ssyncadd.s32 $0xFFFFFFFF  }
0xa5: {  	s26 =	simm.s32 $execute0_lowered;
	[smem:$0x3FD2] =	sst s25  }
0xa6: {  	s5 =	sshll.u32 s26, $0x1;
	_ =	strace $0x80000046;
	[dreg:$0x1] =	wrdreg $0xFFFFFFFF  }
0xa7: {  	s28 =	simm.s32 $_size_execute0_lowered;
	s3 =	sadd.s32 s3, s5;
	[dreg:$0x0] =	wrdreg $0x0  }
0xa8: {  	s5 =	sshll.u32 s28, $0x1;
	[dreg:$0x2] =	wrdreg s3  }
0xa9: {  	[dreg:$0x3] =	wrdreg s5  }
0xaa: {  	[dreg:$0x4] =	wrdreg $0xC0  }
0xab: {  	_ =	task [dreg:s7], $0x5FFFF  }
0xac: {  	[dreg:$0x1] =	wrdreg $0xFFFFFFFF  }
0xad: {  	[dreg:$0x0] =	wrdreg $0x60  }
0xae: {  	[dreg:$0x2] =	wrdreg s24  }
0xaf: {  	[dreg:$0x3] =	wrdreg s2  }
0xb0: {  	[dreg:$0x4] =	wrdreg $0x9  }
0xb1: {  	_ =	task.clear_ibuf [dreg:s7], $0x5FFFF;
	_ =	strace $0x90000046  }
0xb2: {  	s29 =	simm.s32 $0x9;
	_ =	strace $0x80000048  }
0xb3: {  	_ =	swait.ge [sflag:s29], $0x1  }
0xb4: {  	[sflag:s29] =	ssyncadd.s32 $0xFFFFFFFF  }
0xb5: {  	_ =	strace $0x90000048  }
0xb6: {  	_ =	sfence  }
0xb7: {  	s30 =	sld [smem:$0x0];
	_ =	sdelay $0x2  }
0xb8: {  	s31 =	sshll.u32 s1, $0xD;
	s1 =	sshrl.u32 s1, $0x2  }
0xb9: {  	s3 =	sand.u32 $0x4000, s31;
	s1 =	sadd.s32 s1, s30  }
0xba: {  	s0 =	sor.u32 s3, s0;
	s1 =	sshll.u32 s1, $0x11  }
0xbb: {  	s0 =	sor.u32 s1, s0  }
0xbc: {  	s0 =	sadd.s32 $0x8F2B, s0  }
0xbd: {  	[sflag:s0] =	ssyncadd.remote.s32 $0x1  }
0xbe: {  	_ =	sfence.sel $0xFFFF  }
0xbf: {  	[dreg:$0x0] =	wrdreg $0xFFFFFFFF;
	(pc) =	sbr.abs _section_cstart, $3  }
0xc0: {  	[dreg:$0x1] =	wrdreg $0xFFFFFFFF  }
0xc1: {  	_ =	task.clear_ibuf [dreg:s7], $0x2FFFF;
	_ =	strace $0x9FFFFFFF  }
0xc2: {  	(tm) =	ssettm $0x7FFFFFFF  }
0xc3: {  	_ =	shalt  }
tec
execute0_lowered:
.L_overlay_start_1:
0x0: {  	(tag) =	ssettag $0x1  }
0x1: {  	s0 =	stileid.u32;
	s4 =	rddreg [dreg:$0x0]  }
0x2: {  	s1 =	srdreg.scid;
	s2 =	rddreg [dreg:$0x1]  }
0x3: {  	s3 =	sshll.u32 s0, $0x1;
	s6 =	sand.u32 $0x1, s1;
	s1 =	rddreg [dreg:$0x2]  }
0x4: {  	s7 =	sshrl.u32 s0, $0x1;
	s10 =	sadd.s32 $0x600, s4;
	s5 =	sand.u32 $0x2, s3  }
0x5: {  	s30 =	sand.u32 $0x1, s0;
	s3 =	simm.s32 $0x0;
	s5 =	sor.u32 s6, s5  }
0x6: {  	s9 =	smul.u32 $0x7C000, s7;
	s25 =	sor.u32 $0x8, s7;
	s5 =	sshll.u32 s5, $0x2  }
0x7: {  	s24 =	ssub.s32 $0x2, s6;
	s14 =	smul.u32 $0x7C000, s25;
	s8 =	sxor.u32 $0xC, s5  }
0x8: {  	s7 =	sshll.u32 s7, $0x16;
	s23 =	sxor.u32 $0xE, s5;
	s8 =	smul.u32 $0x7C00, s8  }
0x9: {  	[smem:$0x7FF] =	sst s3;
	s12 =	sshrl.u32 s24, $0x1;
	s11 =	smul.u32 $0x7C00, s23  }
0xa: {  	s6 =	sshll.u32 s6, $0x10;
	_ =	strace $0x80000047;
	s12 =	ssub.s32 s24, s12  }
0xb: {  	s31 =	ssub.s32 s7, s6;
	s13 =	sadd.s32 s9, s8;
	s28 =	sadd.s32 s9, s11  }
0xc: {  	s8 =	sadd.s32 s14, s8;
	s29 =	sadd.s32 s14, s11;
	s11 =	sshll.u32 s30, $0x11  }
0xd: {  	s14 =	simm.s32 $0x0;
	s26 =	sshrl.u32 s13, $0x3;
	s5 =	sshrl.u32 s28, $0x3  }
0xe: {  	s8 =	sshrl.u32 s8, $0x3;
	s9 =	sshrl.u32 s29, $0x3;
	s13 =	simm.s32 $0x1  }
0xf: {  	s4 =	sadd.s32 s10, s26;
	s5 =	sadd.s32 s10, s5;
	s6 =	sadd.s32 s10, s8  }
0x10: {  	s7 =	sadd.s32 s10, s9;
	s8 =	ssub.s32 s31, s11;
	s9 =	smax.u32 s12, $0x1  }
0x11: {  	s12 =	simm.s32 $0x2;
	s10 =	sadd.s32 $0x23F0000, s8;
	s11 =	sadd.s32 $0x23F8000, s8  }
.LBB2_1:
0x12: {  	[tilespmem:s3], [sflag:$0x2] =	stream.linear.gather [hbm4b:s4+s3], $0xF800, $0x38;
	[tilespmem:$0x1F000] =	vst v63  }
0x13: {  	s15 =	sadd.s32 $0x3F0000, s8;
	_ =	swait.ge [sflag:s12], $0xF800  }
0x14: {  	s15 =	sshrl.u32 s15, $0x3;
	[sflag:s12] =	ssyncset.done $0x0  }
0x15: {  	s15 =	sadd.s32 s2, s15;
	[sflag:s12] =	ssyncadd.s32 $0xFFFF0800  }
0x16: {  	[hbm4b:s15+s3] =	stream.linear.scatter [tilespmem:s3], [sflag:$0x1], $0x4000, $0x38;
	[tilespmem:$0x1F000] =	vst v63  }
0x17: {  	s16 =	simm.s32 $0x7C00;
	s15 =	sadd.s32 $0x800, s15  }
0x18: {  	[hbm4b:s15+s3] =	stream.linear.scatter [tilespmem:s16], [sflag:$0x1], $0x4000, $0x38;
	[tilespmem:$0x1F000] =	vst v63  }
0x19: {  	s15 =	simm.s32 $0x3B0000;
	s16 =	simm.s32 $0x0  }
.LBB2_2:
0x1a: {  	s17 =	sadd.s32 s15, s8;
	p0 =	sne.s32 s15, $0x30000;
	s15 =	sadd.s32 $0xFFFC0000, s15  }
.Ltmp0:
0x1b: {  	s17 =	sshrl.u32 s17, $0x3;
	(pc) =	sbr.rel @p0 .LBB2_2-.Ltmp0, $4  }
0x1c: {  	s16 =	sadd.s32 $0x400, s16;
	s17 =	sadd.s32 s2, s17  }
0x1d: {  	[hbm4b:s17+s3] =	stream.linear.scatter [tilespmem:s16], [sflag:$0x1], $0x4000, $0x38;
	[tilespmem:$0x1F000] =	vst v63  }
0x1e: {  	s18 =	sadd.s32 $0x7C00, s16;
	s17 =	sadd.s32 $0x800, s17  }
0x1f: {  	[hbm4b:s17+s3] =	stream.linear.scatter [tilespmem:s18], [sflag:$0x1], $0x4000, $0x38;
	[tilespmem:$0x1F000] =	vst v63  }
0x20: {  	s15 =	simm.s32 $0xF800  }
0x21: {  	[tilespmem:s15], [sflag:$0x2] =	stream.linear.gather [hbm4b:s5+s3], $0xF800, $0x38;
	[tilespmem:$0x1F000] =	vst v63  }
0x22: {  	_ =	swait.ge [sflag:s13], $0x8000  }
0x23: {  	[sflag:s13] =	ssyncset.done $0x0  }
0x24: {  	[sflag:s13] =	ssyncadd.s32 $0xFFFF8000  }
0x25: {  	_ =	swait.ge [sflag:s13], $0x8000  }
0x26: {  	[sflag:s13] =	ssyncset.done $0x0  }
0x27: {  	[sflag:s13] =	ssyncadd.s32 $0xFFFF8000  }
0x28: {  	_ =	swait.ge [sflag:s13], $0x8000  }
0x29: {  	[sflag:s13] =	ssyncset.done $0x0  }
0x2a: {  	[sflag:s13] =	ssyncadd.s32 $0xFFFF8000  }
0x2b: {  	_ =	swait.ge [sflag:s13], $0x8000  }
0x2c: {  	[sflag:s13] =	ssyncset.done $0x0  }
0x2d: {  	[sflag:s13] =	ssyncadd.s32 $0xFFFF8000  }
0x2e: {  	_ =	swait.ge [sflag:s13], $0x8000  }
0x2f: {  	[sflag:s13] =	ssyncset.done $0x0  }
0x30: {  	[sflag:s13] =	ssyncadd.s32 $0xFFFF8000  }
0x31: {  	_ =	swait.ge [sflag:s13], $0x8000  }
0x32: {  	[sflag:s13] =	ssyncset.done $0x0  }
0x33: {  	[sflag:s13] =	ssyncadd.s32 $0xFFFF8000  }
0x34: {  	_ =	swait.ge [sflag:s13], $0x8000  }
0x35: {  	[sflag:s13] =	ssyncset.done $0x0  }
0x36: {  	[sflag:s13] =	ssyncadd.s32 $0xFFFF8000  }
0x37: {  	_ =	swait.ge [sflag:s13], $0x8000  }
0x38: {  	[sflag:s13] =	ssyncset.done $0x0  }
0x39: {  	[sflag:s13] =	ssyncadd.s32 $0xFFFF8000  }
0x3a: {  	_ =	swait.ge [sflag:s13], $0x8000  }
0x3b: {  	[sflag:s13] =	ssyncset.done $0x0  }
0x3c: {  	[sflag:s13] =	ssyncadd.s32 $0xFFFF8000  }
0x3d: {  	_ =	swait.ge [sflag:s13], $0x8000  }
0x3e: {  	[sflag:s13] =	ssyncset.done $0x0  }
0x3f: {  	[sflag:s13] =	ssyncadd.s32 $0xFFFF8000  }
0x40: {  	_ =	swait.ge [sflag:s13], $0x8000  }
0x41: {  	[sflag:s13] =	ssyncset.done $0x0  }
0x42: {  	[sflag:s13] =	ssyncadd.s32 $0xFFFF8000  }
0x43: {  	_ =	swait.ge [sflag:s13], $0x8000  }
0x44: {  	[sflag:s13] =	ssyncset.done $0x0  }
0x45: {  	[sflag:s13] =	ssyncadd.s32 $0xFFFF8000  }
0x46: {  	_ =	swait.ge [sflag:s13], $0x8000  }
0x47: {  	[sflag:s13] =	ssyncset.done $0x0  }
0x48: {  	[sflag:s13] =	ssyncadd.s32 $0xFFFF8000  }
0x49: {  	_ =	swait.ge [sflag:s13], $0x8000  }
0x4a: {  	[sflag:s13] =	ssyncset.done $0x0  }
0x4b: {  	[sflag:s13] =	ssyncadd.s32 $0xFFFF8000  }
0x4c: {  	_ =	swait.ge [sflag:s13], $0x8000  }
0x4d: {  	[sflag:s13] =	ssyncset.done $0x0  }
0x4e: {  	[sflag:s13] =	ssyncadd.s32 $0xFFFF8000  }
0x4f: {  	_ =	swait.ge [sflag:s13], $0x8000  }
0x50: {  	[sflag:s13] =	ssyncset.done $0x0  }
0x51: {  	[sflag:s13] =	ssyncadd.s32 $0xFFFF8000  }
0x52: {  	s16 =	sadd.s32 $0x3F8000, s8;
	_ =	swait.ge [sflag:s12], $0xF800  }
0x53: {  	s16 =	sshrl.u32 s16, $0x3;
	[sflag:s12] =	ssyncset.done $0x0  }
0x54: {  	s16 =	sadd.s32 s2, s16;
	[sflag:s12] =	ssyncadd.s32 $0xFFFF0800  }
0x55: {  	[hbm4b:s16+s3] =	stream.linear.scatter [tilespmem:s15], [sflag:$0x1], $0x4000, $0x38;
	[tilespmem:$0x1F000] =	vst v63  }
0x56: {  	s17 =	simm.s32 $0x17400;
	s16 =	sadd.s32 $0x800, s16  }
0x57: {  	[hbm4b:s16+s3] =	stream.linear.scatter [tilespmem:s17], [sflag:$0x1], $0x4000, $0x38;
	[tilespmem:$0x1F000] =	vst v63  }
0x58: {  	s16 =	simm.s32 $0x3B8000  }
.LBB2_4:
0x59: {  	s17 =	sadd.s32 s16, s8;
	p0 =	sne.s32 s16, $0x38000;
	s16 =	sadd.s32 $0xFFFC0000, s16  }
.Ltmp1:
0x5a: {  	s17 =	sshrl.u32 s17, $0x3;
	(pc) =	sbr.rel @p0 .LBB2_4-.Ltmp1, $4  }
0x5b: {  	s15 =	sadd.s32 $0x400, s15;
	s17 =	sadd.s32 s2, s17  }
0x5c: {  	[hbm4b:s17+s3] =	stream.linear.scatter [tilespmem:s15], [sflag:$0x1], $0x4000, $0x38;
	[tilespmem:$0x1F000] =	vst v63  }
0x5d: {  	s18 =	sadd.s32 $0x7C00, s15;
	s17 =	sadd.s32 $0x800, s17  }
0x5e: {  	[hbm4b:s17+s3] =	stream.linear.scatter [tilespmem:s18], [sflag:$0x1], $0x4000, $0x38;
	[tilespmem:$0x1F000] =	vst v63  }
0x5f: {  	s15 =	simm.s32 $0x0  }
0x60: {  	[tilespmem:s15], [sflag:$0x2] =	stream.linear.gather [hbm4b:s6+s15], $0xF800, $0x38;
	[tilespmem:$0x1F000] =	vst v63  }
0x61: {  	_ =	swait.ge [sflag:s13], $0x8000  }
0x62: {  	[sflag:s13] =	ssyncset.done $0x0  }
0x63: {  	[sflag:s13] =	ssyncadd.s32 $0xFFFF8000  }
0x64: {  	_ =	swait.ge [sflag:s13], $0x8000  }
0x65: {  	[sflag:s13] =	ssyncset.done $0x0  }
0x66: {  	[sflag:s13] =	ssyncadd.s32 $0xFFFF8000  }
0x67: {  	_ =	swait.ge [sflag:s13], $0x8000  }
0x68: {  	[sflag:s13] =	ssyncset.done $0x0  }
0x69: {  	[sflag:s13] =	ssyncadd.s32 $0xFFFF8000  }
0x6a: {  	_ =	swait.ge [sflag:s13], $0x8000  }
0x6b: {  	[sflag:s13] =	ssyncset.done $0x0  }
0x6c: {  	[sflag:s13] =	ssyncadd.s32 $0xFFFF8000  }
0x6d: {  	_ =	swait.ge [sflag:s13], $0x8000  }
0x6e: {  	[sflag:s13] =	ssyncset.done $0x0  }
0x6f: {  	[sflag:s13] =	ssyncadd.s32 $0xFFFF8000  }
0x70: {  	_ =	swait.ge [sflag:s13], $0x8000  }
0x71: {  	[sflag:s13] =	ssyncset.done $0x0  }
0x72: {  	[sflag:s13] =	ssyncadd.s32 $0xFFFF8000  }
0x73: {  	_ =	swait.ge [sflag:s13], $0x8000  }
0x74: {  	[sflag:s13] =	ssyncset.done $0x0  }
0x75: {  	[sflag:s13] =	ssyncadd.s32 $0xFFFF8000  }
0x76: {  	_ =	swait.ge [sflag:s13], $0x8000  }
0x77: {  	[sflag:s13] =	ssyncset.done $0x0  }
0x78: {  	[sflag:s13] =	ssyncadd.s32 $0xFFFF8000  }
0x79: {  	_ =	swait.ge [sflag:s13], $0x8000  }
0x7a: {  	[sflag:s13] =	ssyncset.done $0x0  }
0x7b: {  	[sflag:s13] =	ssyncadd.s32 $0xFFFF8000  }
0x7c: {  	_ =	swait.ge [sflag:s13], $0x8000  }
0x7d: {  	[sflag:s13] =	ssyncset.done $0x0  }
0x7e: {  	[sflag:s13] =	ssyncadd.s32 $0xFFFF8000  }
0x7f: {  	_ =	swait.ge [sflag:s13], $0x8000  }
0x80: {  	[sflag:s13] =	ssyncset.done $0x0  }
0x81: {  	[sflag:s13] =	ssyncadd.s32 $0xFFFF8000  }
0x82: {  	_ =	swait.ge [sflag:s13], $0x8000  }
0x83: {  	[sflag:s13] =	ssyncset.done $0x0  }
0x84: {  	[sflag:s13] =	ssyncadd.s32 $0xFFFF8000  }
0x85: {  	_ =	swait.ge [sflag:s13], $0x8000  }
0x86: {  	[sflag:s13] =	ssyncset.done $0x0  }
0x87: {  	[sflag:s13] =	ssyncadd.s32 $0xFFFF8000  }
0x88: {  	_ =	swait.ge [sflag:s13], $0x8000  }
0x89: {  	[sflag:s13] =	ssyncset.done $0x0  }
0x8a: {  	[sflag:s13] =	ssyncadd.s32 $0xFFFF8000  }
0x8b: {  	_ =	swait.ge [sflag:s13], $0x8000  }
0x8c: {  	[sflag:s13] =	ssyncset.done $0x0  }
0x8d: {  	[sflag:s13] =	ssyncadd.s32 $0xFFFF8000  }
0x8e: {  	_ =	swait.ge [sflag:s13], $0x8000  }
0x8f: {  	[sflag:s13] =	ssyncset.done $0x0  }
0x90: {  	[sflag:s13] =	ssyncadd.s32 $0xFFFF8000  }
0x91: {  	s16 =	sadd.s32 $0x0, s10;
	_ =	swait.ge [sflag:s12], $0xF800  }
0x92: {  	s16 =	sshrl.u32 s16, $0x3;
	[sflag:s12] =	ssyncset.done $0x0  }
0x93: {  	s16 =	sadd.s32 s2, s16;
	[sflag:s12] =	ssyncadd.s32 $0xFFFF0800  }
0x94: {  	[hbm4b:s16+s3] =	stream.linear.scatter [tilespmem:s15], [sflag:$0x1], $0x4000, $0x38;
	[tilespmem:$0x1F000] =	vst v63  }
0x95: {  	s17 =	simm.s32 $0x7C00;
	s16 =	sadd.s32 $0x800, s16  }
0x96: {  	[hbm4b:s16+s3] =	stream.linear.scatter [tilespmem:s17], [sflag:$0x1], $0x4000, $0x38;
	[tilespmem:$0x1F000] =	vst v63  }
0x97: {  	s16 =	simm.s32 $0xFFFC0000  }
.LBB2_6:
0x98: {  	s17 =	sadd.s32 s16, s10;
	p0 =	sne.s32 s16, $0xFFC40000;
	s16 =	sadd.s32 $0xFFFC0000, s16  }
.Ltmp2:
0x99: {  	s17 =	sshrl.u32 s17, $0x3;
	(pc) =	sbr.rel @p0 .LBB2_6-.Ltmp2, $4  }
0x9a: {  	s15 =	sadd.s32 $0x400, s15;
	s17 =	sadd.s32 s2, s17  }
0x9b: {  	[hbm4b:s17+s3] =	stream.linear.scatter [tilespmem:s15], [sflag:$0x1], $0x4000, $0x38;
	[tilespmem:$0x1F000] =	vst v63  }
0x9c: {  	s18 =	sadd.s32 $0x7C00, s15;
	s17 =	sadd.s32 $0x800, s17  }
0x9d: {  	[hbm4b:s17+s3] =	stream.linear.scatter [tilespmem:s18], [sflag:$0x1], $0x4000, $0x38;
	[tilespmem:$0x1F000] =	vst v63  }
0x9e: {  	s16 =	simm.s32 $0x0;
	s15 =	simm.s32 $0xF800  }
0x9f: {  	[tilespmem:s15], [sflag:$0x2] =	stream.linear.gather [hbm4b:s7+s16], $0xF800, $0x38;
	[tilespmem:$0x1F000] =	vst v63  }
0xa0: {  	_ =	swait.ge [sflag:s13], $0x8000  }
0xa1: {  	[sflag:s13] =	ssyncset.done $0x0  }
0xa2: {  	[sflag:s13] =	ssyncadd.s32 $0xFFFF8000  }
0xa3: {  	_ =	swait.ge [sflag:s13], $0x8000  }
0xa4: {  	[sflag:s13] =	ssyncset.done $0x0  }
0xa5: {  	[sflag:s13] =	ssyncadd.s32 $0xFFFF8000  }
0xa6: {  	_ =	swait.ge [sflag:s13], $0x8000  }
0xa7: {  	[sflag:s13] =	ssyncset.done $0x0  }
0xa8: {  	[sflag:s13] =	ssyncadd.s32 $0xFFFF8000  }
0xa9: {  	_ =	swait.ge [sflag:s13], $0x8000  }
0xaa: {  	[sflag:s13] =	ssyncset.done $0x0  }
0xab: {  	[sflag:s13] =	ssyncadd.s32 $0xFFFF8000  }
0xac: {  	_ =	swait.ge [sflag:s13], $0x8000  }
0xad: {  	[sflag:s13] =	ssyncset.done $0x0  }
0xae: {  	[sflag:s13] =	ssyncadd.s32 $0xFFFF8000  }
0xaf: {  	_ =	swait.ge [sflag:s13], $0x8000  }
0xb0: {  	[sflag:s13] =	ssyncset.done $0x0  }
0xb1: {  	[sflag:s13] =	ssyncadd.s32 $0xFFFF8000  }
0xb2: {  	_ =	swait.ge [sflag:s13], $0x8000  }
0xb3: {  	[sflag:s13] =	ssyncset.done $0x0  }
0xb4: {  	[sflag:s13] =	ssyncadd.s32 $0xFFFF8000  }
0xb5: {  	_ =	swait.ge [sflag:s13], $0x8000  }
0xb6: {  	[sflag:s13] =	ssyncset.done $0x0  }
0xb7: {  	[sflag:s13] =	ssyncadd.s32 $0xFFFF8000  }
0xb8: {  	_ =	swait.ge [sflag:s13], $0x8000  }
0xb9: {  	[sflag:s13] =	ssyncset.done $0x0  }
0xba: {  	[sflag:s13] =	ssyncadd.s32 $0xFFFF8000  }
0xbb: {  	_ =	swait.ge [sflag:s13], $0x8000  }
0xbc: {  	[sflag:s13] =	ssyncset.done $0x0  }
0xbd: {  	[sflag:s13] =	ssyncadd.s32 $0xFFFF8000  }
0xbe: {  	_ =	swait.ge [sflag:s13], $0x8000  }
0xbf: {  	[sflag:s13] =	ssyncset.done $0x0  }
0xc0: {  	[sflag:s13] =	ssyncadd.s32 $0xFFFF8000  }
0xc1: {  	_ =	swait.ge [sflag:s13], $0x8000  }
0xc2: {  	[sflag:s13] =	ssyncset.done $0x0  }
0xc3: {  	[sflag:s13] =	ssyncadd.s32 $0xFFFF8000  }
0xc4: {  	_ =	swait.ge [sflag:s13], $0x8000  }
0xc5: {  	[sflag:s13] =	ssyncset.done $0x0  }
0xc6: {  	[sflag:s13] =	ssyncadd.s32 $0xFFFF8000  }
0xc7: {  	_ =	swait.ge [sflag:s13], $0x8000  }
0xc8: {  	[sflag:s13] =	ssyncset.done $0x0  }
0xc9: {  	[sflag:s13] =	ssyncadd.s32 $0xFFFF8000  }
0xca: {  	_ =	swait.ge [sflag:s13], $0x8000  }
0xcb: {  	[sflag:s13] =	ssyncset.done $0x0  }
0xcc: {  	[sflag:s13] =	ssyncadd.s32 $0xFFFF8000  }
0xcd: {  	_ =	swait.ge [sflag:s13], $0x8000  }
0xce: {  	[sflag:s13] =	ssyncset.done $0x0  }
0xcf: {  	[sflag:s13] =	ssyncadd.s32 $0xFFFF8000  }
0xd0: {  	s31 =	sadd.s32 $0x0, s11;
	_ =	swait.ge [sflag:s12], $0xF800  }
0xd1: {  	s16 =	sshrl.u32 s31, $0x3;
	[sflag:s12] =	ssyncset.done $0x0  }
0xd2: {  	s16 =	sadd.s32 s2, s16;
	[sflag:s12] =	ssyncadd.s32 $0xFFFF0800  }
0xd3: {  	[hbm4b:s16+s3] =	stream.linear.scatter [tilespmem:s15], [sflag:$0x1], $0x4000, $0x38;
	[tilespmem:$0x1F000] =	vst v63  }
0xd4: {  	s17 =	simm.s32 $0x17400;
	s16 =	sadd.s32 $0x800, s16  }
0xd5: {  	[hbm4b:s16+s3] =	stream.linear.scatter [tilespmem:s17], [sflag:$0x1], $0x4000, $0x38;
	[tilespmem:$0x1F000] =	vst v63  }
0xd6: {  	s16 =	simm.s32 $0xFFFC0000  }
.LBB2_8:
0xd7: {  	s17 =	sadd.s32 s16, s11;
	p0 =	sne.s32 s16, $0xFFC40000;
	s16 =	sadd.s32 $0xFFFC0000, s16  }
.Ltmp3:
0xd8: {  	s17 =	sshrl.u32 s17, $0x3;
	(pc) =	sbr.rel @p0 .LBB2_8-.Ltmp3, $4  }
0xd9: {  	s15 =	sadd.s32 $0x400, s15;
	s17 =	sadd.s32 s2, s17  }
0xda: {  	[hbm4b:s17+s3] =	stream.linear.scatter [tilespmem:s15], [sflag:$0x1], $0x4000, $0x38;
	[tilespmem:$0x1F000] =	vst v63  }
0xdb: {  	s18 =	sadd.s32 $0x7C00, s15;
	s17 =	sadd.s32 $0x800, s17  }
0xdc: {  	[hbm4b:s17+s3] =	stream.linear.scatter [tilespmem:s18], [sflag:$0x1], $0x4000, $0x38;
	[tilespmem:$0x1F000] =	vst v63  }
0xdd: {  	_ =	swait.ge [sflag:s13], $0x8000  }
0xde: {  	[sflag:s13] =	ssyncset.done $0x0  }
0xdf: {  	[sflag:s13] =	ssyncadd.s32 $0xFFFF8000  }
0xe0: {  	_ =	swait.ge [sflag:s13], $0x8000  }
0xe1: {  	[sflag:s13] =	ssyncset.done $0x0  }
0xe2: {  	[sflag:s13] =	ssyncadd.s32 $0xFFFF8000  }
0xe3: {  	_ =	swait.ge [sflag:s13], $0x8000  }
0xe4: {  	[sflag:s13] =	ssyncset.done $0x0  }
0xe5: {  	[sflag:s13] =	ssyncadd.s32 $0xFFFF8000  }
0xe6: {  	_ =	swait.ge [sflag:s13], $0x8000  }
0xe7: {  	[sflag:s13] =	ssyncset.done $0x0  }
0xe8: {  	[sflag:s13] =	ssyncadd.s32 $0xFFFF8000  }
0xe9: {  	_ =	swait.ge [sflag:s13], $0x8000  }
0xea: {  	[sflag:s13] =	ssyncset.done $0x0  }
0xeb: {  	[sflag:s13] =	ssyncadd.s32 $0xFFFF8000  }
0xec: {  	_ =	swait.ge [sflag:s13], $0x8000  }
0xed: {  	[sflag:s13] =	ssyncset.done $0x0  }
0xee: {  	[sflag:s13] =	ssyncadd.s32 $0xFFFF8000  }
0xef: {  	_ =	swait.ge [sflag:s13], $0x8000  }
0xf0: {  	[sflag:s13] =	ssyncset.done $0x0  }
0xf1: {  	[sflag:s13] =	ssyncadd.s32 $0xFFFF8000  }
0xf2: {  	_ =	swait.ge [sflag:s13], $0x8000  }
0xf3: {  	[sflag:s13] =	ssyncset.done $0x0  }
0xf4: {  	[sflag:s13] =	ssyncadd.s32 $0xFFFF8000  }
0xf5: {  	_ =	swait.ge [sflag:s13], $0x8000  }
0xf6: {  	[sflag:s13] =	ssyncset.done $0x0  }
0xf7: {  	[sflag:s13] =	ssyncadd.s32 $0xFFFF8000  }
0xf8: {  	_ =	swait.ge [sflag:s13], $0x8000  }
0xf9: {  	[sflag:s13] =	ssyncset.done $0x0  }
0xfa: {  	[sflag:s13] =	ssyncadd.s32 $0xFFFF8000  }
0xfb: {  	_ =	swait.ge [sflag:s13], $0x8000  }
0xfc: {  	[sflag:s13] =	ssyncset.done $0x0  }
0xfd: {  	[sflag:s13] =	ssyncadd.s32 $0xFFFF8000  }
0xfe: {  	_ =	swait.ge [sflag:s13], $0x8000  }
0xff: {  	[sflag:s13] =	ssyncset.done $0x0  }
0x100: {  	[sflag:s13] =	ssyncadd.s32 $0xFFFF8000  }
0x101: {  	_ =	swait.ge [sflag:s13], $0x8000  }
0x102: {  	[sflag:s13] =	ssyncset.done $0x0  }
0x103: {  	[sflag:s13] =	ssyncadd.s32 $0xFFFF8000  }
0x104: {  	_ =	swait.ge [sflag:s13], $0x8000  }
0x105: {  	[sflag:s13] =	ssyncset.done $0x0  }
0x106: {  	s14 =	sadd.s32 $0x1, s14;
	[sflag:s13] =	ssyncadd.s32 $0xFFFF8000  }
0x107: {  	p0 =	sne.s32 s14, s9;
	_ =	swait.ge [sflag:s13], $0x8000  }
.Ltmp4:
0x108: {  	[sflag:s13] =	ssyncset.done $0x0;
	(pc) =	sbr.rel @p0 .LBB2_1-.Ltmp4, $4  }
0x109: {  	[sflag:s13] =	ssyncadd.s32 $0xFFFF8000  }
0x10a: {  	_ =	swait.ge [sflag:s13], $0x8000  }
0x10b: {  	[sflag:s13] =	ssyncset.done $0x0  }
0x10c: {  	[sflag:s13] =	ssyncadd.s32 $0xFFFF8000  }
0x10d: {  	_ =	sfence.sel $0x180000  }
0x10e: {  	[bflag:$0x0] =	sbarrier.arrive $0xFFFF  }
0x10f: {  	p0 =	sne.s32 s0, $0x0;
	_ =	strace $0x90000047  }
0x110: {  	s0 =	sadd.s32 @!p0 $0x100000, s1;
	[bflag:$0x2] =	sbarrier.arrive $0xFFFF  }
0x111: {  	[sflag:s0] =	ssyncadd.tile.s32 @!p0 $0x1;
	_ =	shalt  }
.Lfunc_end2:
_tile_overlayer_lowered:
.L_overlay_start_2:
0x112: {  	(tag) =	ssettag $0x2  }
0x113: {  	s0 =	rddreg [dreg:$0x0];
	s2 =	stileid.u32  }
0x114: {  	s1 =	rddreg [dreg:$0x1];
	p0 =	sne.s32 s2, $0x0  }
0x115: {  	s3 =	rddreg [dreg:$0x2];
	[bflag:$0x3] =	sbarrier.arrive $0xFFFF;
	s2 =	simm.s32 @!p0 $0x1C03  }
0x116: {  	[timem:s3], [sflag:s2] =	dma.local @!p0 [hbm:s0], s1  }
0x117: {  	s0 =	simm.s32 @!p0 $0x3  }
0x118: {  	_ =	swait.ge @!p0 [sflag:s0], s1  }
0x119: {  	s1 =	ssub.s32 @!p0 $0x0, s1;
	[sflag:s0] =	ssyncset.done @!p0 $0x0  }
0x11a: {  	[sflag:s0] =	ssyncadd.s32 @!p0 s1  }
0x11b: {  	[bflag:$0x3] =	sbarrier.arrive $0xFFFF  }
0x11c: {  	_ =	shalt  }

</sc_bundles>
